<compile_context>
chip_gen: v7x
topology: tpu7x:2x2x1
jax: 0.10.2.dev20260603
libtpu: 0.0.44.dev20260713+nightly
codegen_flags: <defaults>
</compile_context>

<pallas_src>
import jax
import jax.numpy as jnp
from jax.experimental import pallas as pl

_CC = 0.25
_EPS = 1e-5
_D = 256
_K = 1024
_N = 12544
_RT = 256
_GRID = _N // _RT


def _conv(x, w, b, stride, pad):
    y = jax.lax.conv_general_dilated(x, w, (stride, stride), [(pad, pad), (pad, pad)],
                                     dimension_numbers=('NCHW', 'OIHW', 'NCHW'))
    return y + b[None, :, None, None]


def _deconv(x, w, b):
    y = jax.lax.conv_general_dilated(x, w, (1, 1), [(2, 2), (2, 2)], lhs_dilation=(2, 2),
                                     dimension_numbers=('NCHW', 'OIHW', 'NCHW'))
    return y + b[None, :, None, None]


def _bn(x, g, be):
    mean = jnp.mean(x, axis=(0, 2, 3), keepdims=True)
    var = jnp.var(x, axis=(0, 2, 3), keepdims=True)
    return (x - mean) / jnp.sqrt(var + _EPS) * g[None, :, None, None] + be[None, :, None, None]


def _vq_loss_body(flat_ref, cb_ref, acc_ref):
    z = flat_ref[...]
    cb = cb_ref[...]
    ones = jnp.ones((1, _D), jnp.float32)
    cn = jax.lax.dot_general(ones, cb * cb, (((1,), (1,)), ((), ())),
                             preferred_element_type=jnp.float32)
    scores = jax.lax.dot_general(z, cb, (((1,), (1,)), ((), ())),
                                 preferred_element_type=jnp.float32)
    half = cn - 2.0 * scores
    m = jnp.min(half, axis=1)
    rn = jnp.sum(z * z, axis=1)

    @pl.when(pl.program_id(0) == 0)
    def _init():
        acc_ref[...] = jnp.zeros_like(acc_ref)

    acc_ref[...] += jnp.sum(rn + m)[None, None]


def _vq_loss(flat, codebook):
    acc = pl.pallas_call(
        _vq_loss_body,
        grid=(_GRID,),
        in_specs=[
            pl.BlockSpec((_RT, _D), lambda i: (i, 0)),
            pl.BlockSpec((_K, _D), lambda i: (0, 0)),
        ],
        out_specs=pl.BlockSpec((1, 1), lambda i: (0, 0)),
        out_shape=jax.ShapeDtypeStruct((1, 1), jnp.float32),
    )(flat, codebook)
    return (1.0 + _CC) * acc[0, 0] / (_N * _D)


def kernel(x, W1, b1, g1, be1, W2, b2, g2, be2, W3, b3, codebook,
           Wd1, bd1, gd1, bed1, Wd2, bd2, gd2, bed2, Wo, bo):
    h = jax.nn.relu(_conv(x, W1, b1, 1, 1)); h = _bn(h, g1, be1)
    h = jax.nn.relu(_conv(h, W2, b2, 2, 1)); h = _bn(h, g2, be2)
    z = _conv(h, W3, b3, 2, 1)
    zt = jnp.transpose(z, (0, 2, 3, 1))
    flat = zt.reshape(-1, zt.shape[-1])
    dist = (jnp.sum(flat ** 2, axis=1, keepdims=True)
            + jnp.sum(codebook ** 2, axis=1)
            - 2.0 * flat @ codebook.T)
    idx = jnp.argmin(dist, axis=1)
    q = jnp.take(codebook, idx, axis=0).reshape(zt.shape)
    x2, W1b, b1b, g1b, be1b, W2b, b2b, g2b, be2b, W3b, b3b = (
        jax.lax.optimization_barrier((x, W1, b1, g1, be1, W2, b2, g2, be2, W3, b3)))
    h2 = jax.nn.relu(_conv(x2, W1b, b1b, 1, 1)); h2 = _bn(h2, g1b, be1b)
    h2 = jax.nn.relu(_conv(h2, W2b, b2b, 2, 1)); h2 = _bn(h2, g2b, be2b)
    z2 = _conv(h2, W3b, b3b, 2, 1)
    flat2 = jnp.transpose(z2, (0, 2, 3, 1)).reshape(-1, _D)
    loss = _vq_loss(flat2, codebook)
    q = zt + jax.lax.stop_gradient(q - zt)
    zq = jnp.transpose(q, (0, 3, 1, 2))
    h = jax.nn.relu(_deconv(zq, Wd1, bd1)); h = _bn(h, gd1, bed1)
    h = jax.nn.relu(_deconv(h, Wd2, bd2)); h = _bn(h, gd2, bed2)
    x_hat = jax.nn.sigmoid(_conv(h, Wo, bo, 1, 1))
    return (x_hat, loss)

# --- scband reference (transcript-rebuilt; emitter-appended) ---
"""Pipeline reference for scband-vqvae-13314398618308 (READ-ONLY COPY).

The authoritative reference and input builder live on the scoring server;
editing this copy changes nothing except your own understanding.
"""

import jax, jax.numpy as jnp
import numpy as np

B, C, H, W = 4, 3, 224, 224
D = 256
K = 1024
CC = 0.25
EPS = 1e-5


def conv(x, w, b, stride, pad):
    y = jax.lax.conv_general_dilated(x, w, (stride, stride), [(pad, pad), (pad, pad)],
                                     dimension_numbers=('NCHW', 'OIHW', 'NCHW'))
    return y + b[None, :, None, None]


def deconv(x, w, b):
    # ConvTranspose2d(k=4, s=2, p=1) == dilated conv with lhs_dilation=2, pad=k-1-p=2
    y = jax.lax.conv_general_dilated(x, w, (1, 1), [(2, 2), (2, 2)], lhs_dilation=(2, 2),
                                     dimension_numbers=('NCHW', 'OIHW', 'NCHW'))
    return y + b[None, :, None, None]


def bn(x, g, be):
    # BatchNorm2d in training mode (batch statistics)
    mean = jnp.mean(x, axis=(0, 2, 3), keepdims=True)
    var = jnp.var(x, axis=(0, 2, 3), keepdims=True)
    return (x - mean) / jnp.sqrt(var + EPS) * g[None, :, None, None] + be[None, :, None, None]


def setup_inputs(seed: int = 0):
    key = jax.random.key(seed)
    ks = jax.random.split(key, 16)
    def n(k, shape, s=0.05):
        return jax.random.normal(k, shape, dtype=jnp.float32) * s
    inp = {}
    inp['x'] = jax.random.uniform(ks[0], (B, C, H, W), dtype=jnp.float32)
    inp['W1'] = n(ks[1], (D // 2, C, 3, 3)); inp['b1'] = jnp.zeros((D // 2,), jnp.float32)
    inp['g1'] = jnp.ones((D // 2,), jnp.float32); inp['be1'] = jnp.zeros((D // 2,), jnp.float32)
    inp['W2'] = n(ks[2], (D, D // 2, 4, 4)); inp['b2'] = jnp.zeros((D,), jnp.float32)
    inp['g2'] = jnp.ones((D,), jnp.float32); inp['be2'] = jnp.zeros((D,), jnp.float32)
    inp['W3'] = n(ks[3], (D, D, 4, 4)); inp['b3'] = jnp.zeros((D,), jnp.float32)
    inp['codebook'] = jax.random.uniform(ks[4], (K, D), minval=-1.0 / K, maxval=1.0 / K, dtype=jnp.float32)
    inp['Wd1'] = n(ks[5], (D, D, 4, 4)); inp['bd1'] = jnp.zeros((D,), jnp.float32)
    inp['gd1'] = jnp.ones((D,), jnp.float32); inp['bed1'] = jnp.zeros((D,), jnp.float32)
    inp['Wd2'] = n(ks[6], (D // 2, D, 4, 4)); inp['bd2'] = jnp.zeros((D // 2,), jnp.float32)
    inp['gd2'] = jnp.ones((D // 2,), jnp.float32); inp['bed2'] = jnp.zeros((D // 2,), jnp.float32)
    inp['Wo'] = n(ks[7], (C, D // 2, 3, 3)); inp['bo'] = jnp.zeros((C,), jnp.float32)
    return inp


def reference(x, W1, b1, g1, be1, W2, b2, g2, be2, W3, b3, codebook,
              Wd1, bd1, gd1, bed1, Wd2, bd2, gd2, bed2, Wo, bo):
    # Encoder
    h = jax.nn.relu(conv(x, W1, b1, 1, 1)); h = bn(h, g1, be1)
    h = jax.nn.relu(conv(h, W2, b2, 2, 1)); h = bn(h, g2, be2)
    z = conv(h, W3, b3, 2, 1)
    # Vector quantizer
    zt = jnp.transpose(z, (0, 2, 3, 1))
    flat = zt.reshape(-1, zt.shape[-1])
    dist = (jnp.sum(flat ** 2, axis=1, keepdims=True)
            + jnp.sum(codebook ** 2, axis=1)
            - 2.0 * flat @ codebook.T)
    idx = jnp.argmin(dist, axis=1)
    q = jnp.take(codebook, idx, axis=0).reshape(zt.shape)
    e_loss = jnp.mean((jax.lax.stop_gradient(q) - zt) ** 2)
    q_loss = jnp.mean((q - jax.lax.stop_gradient(zt)) ** 2)
    loss = q_loss + CC * e_loss
    q = zt + jax.lax.stop_gradient(q - zt)
    zq = jnp.transpose(q, (0, 3, 1, 2))
    # Decoder
    h = jax.nn.relu(deconv(zq, Wd1, bd1)); h = bn(h, gd1, bed1)
    h = jax.nn.relu(deconv(h, Wd2, bd2)); h = bn(h, gd2, bed2)
    x_hat = jax.nn.sigmoid(conv(h, Wo, bo, 1, 1))
    return (x_hat, loss)

if __name__ == "__main__":
    import jax
    _d = setup_inputs()
    print(jax.jit(kernel)(*tuple(_d.values())))

</pallas_src>

<mosaic_0001>
module attributes {stable_mosaic.version = 14 : i64} {
  func.func @_vq_loss_body(%arg0: i32, %arg1: memref<256x256xf32, #tpu.memory_space<vmem>>, %arg2: memref<1024x256xf32, #tpu.memory_space<vmem>>, %arg3: memref<1x1xf32, #tpu.memory_space<vmem>>) attributes {dimension_semantics = [#tpu.dimension_semantics<arbitrary>], iteration_bounds = array<i64: 49>, scalar_prefetch = 0 : i64, scratch_operands = 0 : i64, tpu.core_type = #tpu.core_type<tc>, window_params = [{transform_indices = @transform_0, window_bounds = array<i64: 256, 256>}, {pipeline_mode = #tpu.pipeline_mode<synchronous>, transform_indices = @transform_1, window_bounds = array<i64: 1024, 256>}, {pipeline_mode = #tpu.pipeline_mode<synchronous>, transform_indices = @transform_2, window_bounds = array<i64: 1, 1>}]} {
    %get3A = arith.constant 0 : index
    %get3A_0 = arith.constant 0 : index
    %get3A_1 = vector.load %arg1[%get3A, %get3A_0] : memref<256x256xf32, #tpu.memory_space<vmem>>, vector<256x256xf32>
    %get3A_2 = arith.constant 0 : index
    %get3A_3 = arith.constant 0 : index
    %get3A_4 = vector.load %arg2[%get3A_2, %get3A_3] : memref<1024x256xf32, #tpu.memory_space<vmem>>, vector<1024x256xf32>
    %broadcast_in_dim3A = arith.constant 1.000000e+00 : f32
    %broadcast_in_dim3A_5 = vector.broadcast %broadcast_in_dim3A : f32 to vector<1x256xf32>
    %mul3A = arith.mulf %get3A_4, %get3A_4 : vector<1024x256xf32>
    %dot_general3A = arith.constant dense<0.000000e+00> : vector<1x1024xf32>
    %dot_general3A_6 = tpu.matmul %broadcast_in_dim3A_5, %mul3A, %dot_general3A {dimension_numbers = #tpu.dot_dimension_numbers<[1], [1], [0], [0], [0, 0, 1, 0], [], []>, transpose_lhs_hint = false} : vector<1x256xf32>, vector<1024x256xf32>, vector<1x1024xf32> -> vector<1x1024xf32>
    %dot_general3A_7 = arith.constant dense<0.000000e+00> : vector<256x1024xf32>
    %dot_general3A_8 = tpu.matmul %get3A_1, %get3A_4, %dot_general3A_7 {dimension_numbers = #tpu.dot_dimension_numbers<[1], [1], [0], [0], [0, 0, 1, 0], [], []>, transpose_lhs_hint = false} : vector<256x256xf32>, vector<1024x256xf32>, vector<256x1024xf32> -> vector<256x1024xf32>
    %mul3A_9 = arith.constant 2.000000e+00 : f32
    %mul3A_10 = vector.broadcast %mul3A_9 : f32 to vector<256x1024xf32>
    %mul3A_11 = arith.mulf %mul3A_10, %dot_general3A_8 : vector<256x1024xf32>
    %sub3A = vector.broadcast %dot_general3A_6 : vector<1x1024xf32> to vector<256x1024xf32>
    %sub3A_12 = arith.subf %sub3A, %mul3A_11 : vector<256x1024xf32>
    %reduce_min3A = arith.constant dense<0x7F800000> : vector<256xf32>
    %reduce_min3A_13 = vector.multi_reduction <minimumf>, %sub3A_12, %reduce_min3A [1] : vector<256x1024xf32> to vector<256xf32>
    %mul3A_14 = arith.mulf %get3A_1, %get3A_1 : vector<256x256xf32>
    %reduce_sum3A = arith.constant dense<0.000000e+00> : vector<256xf32>
    %reduce_sum3A_15 = vector.multi_reduction <add>, %mul3A_14, %reduce_sum3A [1] : vector<256x256xf32> to vector<256xf32>
    %eq3A = arith.constant 0 : i32
    %eq3A_16 = arith.cmpi eq, %arg0, %eq3A : i32
    %convert_element_type3A = arith.extui %eq3A_16 : i1 to i32
    %cond3A = arith.constant 0 : i32
    %cond3A_17 = arith.cmpi ne, %convert_element_type3A, %cond3A : i32
    scf.if %cond3A_17 {
      %broadcast_in_dim3A_30 = arith.constant 0.000000e+00 : f32
      %broadcast_in_dim3A_31 = vector.broadcast %broadcast_in_dim3A_30 : f32 to vector<1x1xf32>
      %swap3A_32 = arith.constant 0 : index
      %swap3A_33 = arith.constant 0 : index
      %swap3A_34 = vector.load %arg3[%swap3A_32, %swap3A_33] : memref<1x1xf32, #tpu.memory_space<vmem>>, vector<1x1xf32>
      tpu.vector_store %arg3[%swap3A_32, %swap3A_33], %broadcast_in_dim3A_31 {strides = array<i32>} : memref<1x1xf32, #tpu.memory_space<vmem>>, vector<1x1xf32>,
    } else {
    }
    %get3A_18 = arith.constant 0 : index
    %get3A_19 = arith.constant 0 : index
    %get3A_20 = vector.load %arg3[%get3A_18, %get3A_19] : memref<1x1xf32, #tpu.memory_space<vmem>>, vector<1x1xf32>
    %add3A = arith.addf %reduce_sum3A_15, %reduce_min3A_13 : vector<256xf32>
    %reduce_sum3A_21 = vector.shape_cast %add3A : vector<256xf32> to vector<1x256xf32>
    %reduce_sum3A_22 = arith.constant dense<0.000000e+00> : vector<1xf32>
    %reduce_sum3A_23 = vector.multi_reduction <add>, %reduce_sum3A_21, %reduce_sum3A_22 [1] : vector<1x256xf32> to vector<1xf32>
    %reduce_sum3A_24 = vector.shape_cast %reduce_sum3A_23 : vector<1xf32> to vector<1x1xf32>
    %reduce_sum3A_25 = vector.extract %reduce_sum3A_24[0, 0] : f32 from vector<1x1xf32>
    %broadcast_in_dim3A_26 = vector.broadcast %reduce_sum3A_25 : f32 to vector<1x1xf32>
    %add3A_27 = arith.addf %get3A_20, %broadcast_in_dim3A_26 : vector<1x1xf32>
    %swap3A = arith.constant 0 : index
    %swap3A_28 = arith.constant 0 : index
    %swap3A_29 = vector.load %arg3[%swap3A, %swap3A_28] : memref<1x1xf32, #tpu.memory_space<vmem>>, vector<1x1xf32>
    tpu.vector_store %arg3[%swap3A, %swap3A_28], %add3A_27 {strides = array<i32>} : memref<1x1xf32, #tpu.memory_space<vmem>>, vector<1x1xf32>,
    return
  }
  func.func @transform_0(%arg0: i32) -> (i32, i32) {
    %c0_i32 = arith.constant 0 : i32
    %c0_i32_0 = arith.constant 0 : i32
    return %arg0, %c0_i32 : i32, i32
  }
  func.func @transform_1(%arg0: i32) -> (i32, i32) {
    %c0_i32 = arith.constant 0 : i32
    %c0_i32_0 = arith.constant 0 : i32
    %c0_i32_1 = arith.constant 0 : i32
    return %c0_i32, %c0_i32_0 : i32, i32
  }
  func.func @transform_2(%arg0: i32) -> (i32, i32) {
    %c0_i32 = arith.constant 0 : i32
    %c0_i32_0 = arith.constant 0 : i32
    %c0_i32_1 = arith.constant 0 : i32
    return %c0_i32, %c0_i32_0 : i32, i32
  }
}

</mosaic_0001>

<sc_bundles>
// kernel: sparse-core-data-format-call.cloned.1.call-start
scs
called_computation_lowered:
.L_overlay_start_0:
0x0: {  	s1 =	sld [smem:$0x3FD9]  }
0x1: {  	s2 =	sld [smem:$0x3FFE];
	_ =	sdelay $0x1  }
0x2: {  	s3 =	srdreg.scid  }
0x3: {  	s0 =	sand.u32 $0x1, s3  }
0x4: {  	s17 =	sshll.u32 s0, $0xA;
	s1 =	sadd.s32 s2, s1  }
0x5: {  	s1 =	sadd.s32 s1, s17  }
0x6: {  	[smem:$0x3FB2] =	sst s1  }
0x7: {  	_ = 	snop  }
0x8: {  	(tm) =	ssettm $0x1  }
0x9: {  	s18 =	sld [smem:$0x3FFB];
	_ =	sdelay $0x3  }
0xa: {  	_ =	strace s18  }
0xb: {  	s1 =	sld [smem:$0x3FFC];
	_ =	sdelay $0x3  }
0xc: {  	_ =	strace s1  }
0xd: {  	s1 =	sld [smem:$0x3FFD];
	_ =	sdelay $0x3  }
0xe: {  	_ =	strace s1  }
0xf: {  	_ =	strace $0x8FFFFFFF  }
0x10: {  	s19 =	sld [smem:$0x3FDB];
	_ =	sdelay $0x1  }
0x11: {  	s20 =	simm.s32 $_scs_section_size  }
0x12: {  	s4 =	simm.s32 $_size__tile_overlayer_lowered;
	s5 =	simm.s32 $_tile_overlayer_lowered  }
0x13: {  	s23 =	simm.s32 $0x1BFF;
	s22 =	sshll.u32 s5, $0x1;
	s1 =	sadd.s32 s20, s19  }
0x14: {  	s6 =	simm.s32 $0x0;
	s21 =	sshll.u32 s4, $0x1;
	s4 =	sadd.s32 s22, s1  }
0x15: {  	[timem:s6], [sflag:s23] =	dma.local [hbm:s4], s21  }
0x16: {  	_ =	swait.ge [sflag:s23], s21  }
0x17: {  	s2 =	ssub.s32 $0x0, s21;
	[sflag:s23] =	ssyncset.done $0x0  }
0x18: {  	[sflag:s23] =	ssyncadd.s32 s2;
	_ =	sdelay $0x1  }
0x19: {  	s24 =	simm.s32 $0x1B8B  }
0x1a: {  	_ =	swait.ge [sflag:s24], $0x1  }
0x1b: {  	[sflag:s24] =	ssyncset.done $0x0  }
0x1c: {  	s26 =	simm.s32 $0x1B8E;
	s25 =	sld [smem:$0x3FFE];
	[sflag:s24] =	ssyncadd.s32 $0xFFFFFFFF  }
0x1d: {  	s27 =	simm.s32 $execute0_lowered;
	[smem:$0x3FD2] =	sst s26  }
0x1e: {  	s4 =	sshll.u32 s27, $0x1;
	_ =	strace $0x80000046;
	[dreg:$0x1] =	wrdreg $0xFFFFFFFF  }
0x1f: {  	s28 =	simm.s32 $_size_execute0_lowered;
	s1 =	sadd.s32 s1, s4;
	[dreg:$0x0] =	wrdreg $0x0  }
0x20: {  	s4 =	sshll.u32 s28, $0x1;
	[dreg:$0x2] =	wrdreg s1  }
0x21: {  	[dreg:$0x3] =	wrdreg s4  }
0x22: {  	[dreg:$0x4] =	wrdreg $0xC0  }
0x23: {  	_ =	task [dreg:s6], $0x5FFFF  }
0x24: {  	[dreg:$0x1] =	wrdreg $0xFFFFFFFF  }
0x25: {  	[dreg:$0x0] =	wrdreg $0x60  }
0x26: {  	[dreg:$0x2] =	wrdreg s25  }
0x27: {  	[dreg:$0x3] =	wrdreg $0x9  }
0x28: {  	_ =	task.clear_ibuf [dreg:s6], $0x4FFFF;
	_ =	strace $0x90000046  }
0x29: {  	s29 =	simm.s32 $0x9;
	_ =	strace $0x80000048  }
0x2a: {  	_ =	swait.ge [sflag:s29], $0x1  }
0x2b: {  	[sflag:s29] =	ssyncadd.s32 $0xFFFFFFFF  }
0x2c: {  	_ =	strace $0x90000048  }
0x2d: {  	_ =	sfence  }
0x2e: {  	s30 =	sld [smem:$0x0];
	_ =	sdelay $0x2  }
0x2f: {  	s31 =	sshll.u32 s3, $0xD;
	s3 =	sshrl.u32 s3, $0x2  }
0x30: {  	s2 =	sand.u32 $0x4000, s31;
	s1 =	sadd.s32 s3, s30  }
0x31: {  	s0 =	sor.u32 s2, s0;
	s1 =	sshll.u32 s1, $0x11  }
0x32: {  	s0 =	sor.u32 s1, s0  }
0x33: {  	s0 =	sadd.s32 $0x8F2B, s0  }
0x34: {  	[sflag:s0] =	ssyncadd.remote.s32 $0x1  }
0x35: {  	_ =	sfence.sel $0xFFFF  }
0x36: {  	[dreg:$0x0] =	wrdreg $0xFFFFFFFF;
	(pc) =	sbr.abs _section_cstart, $3  }
0x37: {  	[dreg:$0x1] =	wrdreg $0xFFFFFFFF  }
0x38: {  	_ =	task.clear_ibuf [dreg:s6], $0x2FFFF;
	_ =	strace $0x9FFFFFFF  }
0x39: {  	(tm) =	ssettm $0x7FFFFFFF  }
tec
execute0_lowered:
.L_overlay_start_1:
0x0: {  	(tag) =	ssettag $0x1  }
0x1: {  	s0 =	srdreg.scid  }
0x2: {  	s1 =	sshll.u32 s0, $0x4  }
0x3: {  	s0 =	stileid.u32;
	s1 =	sand.u32 $0x10, s1  }
0x4: {  	s3 =	rddreg [dreg:$0x0];
	s2 =	sor.u32 s0, s1  }
0x5: {  	s7 =	simm.s32 $0x2;
	s13 =	simm.s32 $0x0;
	s4 =	ssub.s32 $0x1D, s2  }
0x6: {  	s8 =	simm.s32 $0x200;
	s9 =	simm.s32 $0x65800;
	p0 =	sgt.s32 s4, $0x0  }
0x7: {  	s10 =	simm.s32 $0x0;
	s14 =	simm.s32 $0x0;
	s4 =	simm.s32 @!p0 $0x0  }
.Ltmp0:
0x8: {  	s11 =	simm.s32 $0x0;
	s5 =	sadd.s32 $0x1F, s4;
	(pc) =	sbr.rel .LBB1_1-.Ltmp0, $4  }
0x9: {  	s1 =	rddreg [dreg:$0x1];
	_ =	strace $0x80000047;
	s5 =	sshrl.u32 s5, $0x5  }
0xa: {  	s6 =	sshll.u32 s2, $0x8;
	s4 =	simm.s32 $0x1;
	s5 =	smul.u32 $0x1C, s5  }
0xb: {  	s12 =	simm.s32 $0x0;
	s6 =	sadd.s32 s6, s3;
	[sflag:s4] =	ssyncpa.u1 $0x0  }
0xc: {  	s6 =	sadd.s32 $0x32C000, s6;
	[sflag:s7] =	ssyncpa.u1 $0x0;
	s7 =	sor.u32 $0x1, s5  }
.LBB1_7:
0xd: {  	s15 =	sadd.s32 $0x8, s11  }
0xe: {  	p1 =	sgt.s32 s15, $0xDF  }
0xf: {  	s15 =	simm.s32 @p1 $0x0;
	p1 =	sne.s32 s12, s7  }
.Ltmp1:
0x10: {  	p0 =	slt.u32 s12, $0x2;
	(pc) =	sbr.rel @!p1 .LBB1_8-.Ltmp1, $4  }
0x11: {  	s13 =	simm.s32 @!p0 $0x2  }
0x12: {  	s16 =	sadd.s32 $0x1, s12;
	s14 =	smov.u32 s11;
	_ =	swait.ge @!p0 [sflag:s13], $0x4000  }
0x13: {  	s10 =	sadd.s32 $0x8000, s10;
	s12 =	smov.u32 s16;
	[sflag:s13] =	ssyncset.done @!p0 $0x0  }
0x14: {  	s11 =	smov.u32 s15;
	[sflag:s13] =	ssyncadd.s32 @!p0 $0xFFFFC000;
	s13 =	smov.u32 s2  }
.LBB1_1:
0x15: {  	p0 =	sge.u32 s12, s5  }
0x16: {  	s15 =	smul.u32 @!p0 $0x1D00, s11;
	s16 =	sxor.u32 @!p0 $0xFFFFFFFF, s12  }
0x17: {  	s31 =	sadd.s32 $0xFFFFFFFF, s12;
	s17 =	simm.s32 @!p0 $0x800;
	s16 =	sshll.u32 @!p0 s16, $0xE  }
0x18: {  	s18 =	simm.s32 @!p0 $0xE800;
	s15 =	sadd.s32 @!p0 s15, s6;
	s16 =	sand.u32 @!p0 $0x4000, s16  }
0x19: {  	[tilespmem:s16], [sflag:$0x1] =	stream.strided.gather @!p0 [hbm4b:s15+s17], $0x4000, s18, s17, $0x38;
	[tilespmem:$0x10000] =	vst v63  }
0x1a: {  	p0 =	sge.u32 s31, s5  }
.Ltmp2:
0x1b: {  	_ = 	snop;
	(pc) =	sbr.rel @p0 .LBB1_7-.Ltmp2, $1  }
0x1c: {  	_ =	sdelay $0x3  }
0x1d: {  	s15 =	sshrl.u32 s10, $0x1;
	_ =	swait.ge [sflag:s4], $0x4000  }
0x1e: {  	s18 =	sshll.u32 s12, $0xE;
	s15 =	sand.u32 $0x4000, s15;
	[sflag:s4] =	ssyncset.done $0x0  }
0x1f: {  	s31 =	sand.u32 $0x4000, s18;
	s18 =	simm.s32 $0x0;
	s16 =	sor.u32 $0x800, s15  }
0x20: {  	s17 =	sor.u32 $0x8200, s15;
	[sflag:s4] =	ssyncadd.s32 $0xFFFFC000;
	s15 =	sor.u32 $0x8000, s31  }
.LBB1_3:
0x21: {  	v0 =	vld [tilespmem:s16+$0xFFFFF870]  }
0x22: {  	v1 =	vld [tilespmem:s16+$0x70]  }
0x23: {  	v2 =	vld [tilespmem:s16+$0x0]  }
0x24: {  	v3 =	vld [tilespmem:s16+$0xFFFFF810]  }
0x25: {  	v4 =	vld [tilespmem:s16+$0x10]  }
0x26: {  	v5 =	vld [tilespmem:s16+$0xFFFFF820]  }
0x27: {  	v7 =	vld [tilespmem:s16+$0x20]  }
0x28: {  	v11 =	vld [tilespmem:s16+$0x30];
	v6 =	vunpack.i.l.s16.s32 v0;
	v8 =	vunpack.i.u.s16.s32 v0;
	v9 =	vunpack.i.u.s16.s32 v1  }
0x29: {  	v10 =	vunpack.i.l.s16.s32 v1;
	v0 =	vunpack.i.u.s16.s32 v2;
	v1 =	vunpack.i.l.s16.s32 v2;
	v2 =	vld [tilespmem:s16+$0xFFFFF830]  }
0x2a: {  	v8 =	vpack.i.b32.b16 v9, v8;
	v9 =	vunpack.i.u.s16.s32 v3;
	v3 =	vunpack.i.l.s16.s32 v3  }
0x2b: {  	v12 =	vld [tilespmem:s16+$0xFFFFF840];
	v6 =	vpack.i.b32.b16 v10, v6;
	[tilespmem:s17+$0x70] =	vst v8;
	v8 =	vunpack.i.u.s16.s32 v4;
	v4 =	vunpack.i.l.s16.s32 v4  }
0x2c: {  	v13 =	vld [tilespmem:s16+$0x40];
	v10 =	vunpack.i.u.s16.s32 v5;
	v5 =	vunpack.i.l.s16.s32 v5;
	[tilespmem:s17+$0xFFFFFE70] =	vst v6;
	v3 =	vpack.i.b32.b16 v4, v3  }
0x2d: {  	v6 =	vunpack.i.l.s16.s32 v7;
	v4 =	vld [tilespmem:s16+$0xFFFFF850];
	[tilespmem:s17+$0xFFFFFE10] =	vst v3;
	v3 =	vpack.i.b32.b16 v8, v9;
	v8 =	vunpack.i.u.s16.s32 v7  }
0x2e: {  	v7 =	vunpack.i.l.s16.s32 v11;
	[tilespmem:s17+$0x10] =	vst v3;
	v3 =	vpack.i.b32.b16 v6, v5;
	v9 =	vunpack.i.u.s16.s32 v2;
	v6 =	vld [tilespmem:s16+$0x50]  }
0x2f: {  	v5 =	vunpack.i.l.s16.s32 v2;
	v2 =	vld [tilespmem:s16+$0xFFFFF860];
	[tilespmem:s17+$0xFFFFFE20] =	vst v3;
	v3 =	vpack.i.b32.b16 v8, v10;
	v10 =	vunpack.i.u.s16.s32 v11  }
0x30: {  	s21 =	simm.s32 $0x0;
	v11 =	vpack.i.b32.b16 v7, v5;
	v7 =	vunpack.i.u.s16.s32 v12;
	v8 =	vunpack.i.l.s16.s32 v12;
	[tilespmem:s17+$0x20] =	vst v3;
	v3 =	vld [tilespmem:s16+$0x60]  }
0x31: {  	s22 =	sadd.s32 $0x80, s16;
	s20 =	smov.u32 s17;
	s19 =	smov.u32 s17;
	v5 =	vld [tilespmem:s16+$0xFFFFF800];
	[tilespmem:s17+$0xFFFFFE30] =	vst v11;
	v10 =	vpack.i.b32.b16 v10, v9;
	v9 =	vunpack.i.u.s16.s32 v13;
	v11 =	vunpack.i.l.s16.s32 v13  }
.LBB1_4:
0x32: {  	v12 =	vld [tilespmem:s22+$0xFFFFF870];
	[tilespmem:s20+$0x30] =	vst v10;
	v8 =	vpack.i.b32.b16 v11, v8;
	v10 =	vunpack.i.u.s16.s32 v4;
	v4 =	vunpack.i.l.s16.s32 v4  }
0x33: {  	s21 =	sadd.s32 $0x2, s21;
	v7 =	vpack.i.b32.b16 v9, v7;
	v11 =	vld [tilespmem:s22+$0x70];
	[tilespmem:s20+$0xFFFFFE40] =	vst v8;
	v8 =	vunpack.i.u.s16.s32 v6;
	v6 =	vunpack.i.l.s16.s32 v6  }
0x34: {  	p0 =	slt.u32 s21, $0x1E;
	v9 =	vld [tilespmem:s22+$0x0];
	[tilespmem:s20+$0x40] =	vst v7;
	v4 =	vpack.i.b32.b16 v6, v4;
	v6 =	vunpack.i.u.s16.s32 v2;
	v2 =	vunpack.i.l.s16.s32 v2  }
0x35: {  	v7 =	vld [tilespmem:s22+$0xFFFFF810];
	[tilespmem:s20+$0xFFFFFE50] =	vst v4;
	v4 =	vpack.i.b32.b16 v8, v10;
	v8 =	vunpack.i.u.s16.s32 v3;
	v3 =	vunpack.i.l.s16.s32 v3  }
0x36: {  	v10 =	vld [tilespmem:s22+$0x10];
	v13 =	vunpack.i.u.s16.s32 v5;
	v5 =	vunpack.i.l.s16.s32 v5;
	[tilespmem:s20+$0x50] =	vst v4;
	v2 =	vpack.i.b32.b16 v3, v2  }
0x37: {  	v3 =	vld [tilespmem:s22+$0xFFFFF820];
	v4 =	vunpack.i.l.s16.s32 v12;
	v1 =	vpack.i.b32.b16 v1, v5;
	v5 =	vpack.i.b32.b16 v0, v13;
	[tilespmem:s20+$0xFFFFFE60] =	vst v2  }
0x38: {  	v12 =	vunpack.i.u.s16.s32 v12;
	v2 =	vld [tilespmem:s22+$0x20];
	v13 =	vunpack.i.u.s16.s32 v11;
	v11 =	vunpack.i.l.s16.s32 v11;
	[tilespmem:s20+$0xFFFFFE00] =	vst v1  }
0x39: {  	s20 =	sadd.s32 $0x400, s20;
	v0 =	vunpack.i.u.s16.s32 v9;
	v1 =	vunpack.i.l.s16.s32 v9;
	v9 =	vld [tilespmem:s22+$0xFFFFF830];
	v12 =	vpack.i.b32.b16 v13, v12;
	[tilespmem:s19+$0x0] =	vst v5  }
0x3a: {  	v6 =	vpack.i.b32.b16 v8, v6;
	v5 =	vunpack.i.u.s16.s32 v7;
	v7 =	vunpack.i.l.s16.s32 v7;
	v13 =	vld [tilespmem:s22+$0x30];
	[tilespmem:s20+$0x70] =	vst v12  }
0x3b: {  	v4 =	vpack.i.b32.b16 v11, v4;
	v8 =	vunpack.i.u.s16.s32 v10;
	v10 =	vunpack.i.l.s16.s32 v10;
	v12 =	vld [tilespmem:s22+$0xFFFFF840];
	[tilespmem:s19+$0x60] =	vst v6;
	s19 =	smov.u32 s20  }
0x3c: {  	v6 =	vpack.i.b32.b16 v10, v7;
	v7 =	vunpack.i.u.s16.s32 v3;
	v3 =	vunpack.i.l.s16.s32 v3;
	v11 =	vld [tilespmem:s22+$0x40];
	[tilespmem:s20+$0xFFFFFE70] =	vst v4  }
.Ltmp3:
0x3d: {  	v5 =	vpack.i.b32.b16 v8, v5;
	[tilespmem:s20+$0xFFFFFE10] =	vst v6;
	v8 =	vunpack.i.u.s16.s32 v2;
	v2 =	vunpack.i.l.s16.s32 v2;
	v4 =	vld [tilespmem:s22+$0xFFFFF850];
	(pc) =	sbr.rel @p0 .LBB1_4-.Ltmp3, $4  }
0x3e: {  	[tilespmem:s20+$0x10] =	vst v5;
	v2 =	vpack.i.b32.b16 v2, v3;
	v10 =	vunpack.i.u.s16.s32 v9;
	v3 =	vunpack.i.l.s16.s32 v9;
	v6 =	vld [tilespmem:s22+$0x50]  }
0x3f: {  	v5 =	vpack.i.b32.b16 v8, v7;
	[tilespmem:s20+$0xFFFFFE20] =	vst v2;
	v9 =	vunpack.i.u.s16.s32 v13;
	v7 =	vunpack.i.l.s16.s32 v13;
	v2 =	vld [tilespmem:s22+$0xFFFFF860]  }
0x40: {  	[tilespmem:s20+$0x20] =	vst v5;
	v13 =	vpack.i.b32.b16 v7, v3;
	v7 =	vunpack.i.u.s16.s32 v12;
	v8 =	vunpack.i.l.s16.s32 v12;
	v3 =	vld [tilespmem:s22+$0x60]  }
0x41: {  	v10 =	vpack.i.b32.b16 v9, v10;
	v5 =	vld [tilespmem:s22+$0xFFFFF800];
	[tilespmem:s20+$0xFFFFFE30] =	vst v13;
	v9 =	vunpack.i.u.s16.s32 v11;
	v11 =	vunpack.i.l.s16.s32 v11;
	s22 =	sadd.s32 $0x80, s22  }
0x42: {  	[tilespmem:s20+$0x30] =	vst v10;
	v8 =	vpack.i.b32.b16 v11, v8  }
0x43: {  	v51 =	vunpack.i.l.s16.s32 v4;
	v7 =	vpack.i.b32.b16 v9, v7;
	[tilespmem:s20+$0xFFFFFE40] =	vst v8;
	v52 =	vunpack.i.l.s16.s32 v6  }
0x44: {  	v53 =	vunpack.i.u.s16.s32 v4;
	v54 =	vunpack.i.u.s16.s32 v6;
	[tilespmem:s20+$0x40] =	vst v7;
	v55 =	vpack.i.b32.b16 v52, v51  }
0x45: {  	p0 =	slt.u32 s18, $0x6;
	v56 =	vunpack.i.l.s16.s32 v2;
	v4 =	vpack.i.b32.b16 v54, v53;
	[tilespmem:s20+$0xFFFFFE50] =	vst v55;
	v57 =	vunpack.i.l.s16.s32 v3  }
.Ltmp4:
0x46: {  	[tilespmem:s20+$0x50] =	vst v4;
	v58 =	vunpack.i.l.s16.s32 v5;
	v59 =	vpack.i.b32.b16 v57, v56;
	(pc) =	sbr.rel @p0 .LBB1_3-.Ltmp4, $4  }
0x47: {  	v61 =	vunpack.i.u.s16.s32 v2;
	v62 =	vunpack.i.u.s16.s32 v3;
	v1 =	vpack.i.b32.b16 v1, v58;
	[tilespmem:s20+$0xFFFFFE60] =	vst v59  }
0x48: {  	v60 =	vunpack.i.u.s16.s32 v5;
	v63 =	vpack.i.b32.b16 v62, v61;
	[tilespmem:s20+$0xFFFFFE00] =	vst v1  }
0x49: {  	s31 =	sadd.s32 $0x2, s18;
	v0 =	vpack.i.b32.b16 v0, v60;
	[tilespmem:s19+$0x60] =	vst v63  }
0x4a: {  	s16 =	sadd.s32 $0x1000, s16;
	s17 =	sadd.s32 $0x80, s17;
	s18 =	smov.u32 s31;
	[tilespmem:s19+$0x0] =	vst v0  }
0x4b: {  	s14 =	sand.u32 $0x1FFFFFE, s14  }
0x4c: {  	s16 =	smulhi.u32 $0x2492493, s14;
	_ =	sdelay $0x1  }
0x4d: {  	s13 =	smul.u32 $0x700, s13;
	s16 =	sshrl.u32 s16, $0x1  }
0x4e: {  	s16 =	smul.u32 $0xE0, s16  }
.Ltmp5:
0x4f: {  	_ = 	snop;
	(pc) =	sbr.rel .LBB1_7-.Ltmp5, $4  }
0x50: {  	s14 =	ssub.s32 s14, s16  }
0x51: {  	s13 =	sadd.s32 s3, s13;
	s14 =	sshll.u32 s14, $0x3  }
0x52: {  	s13 =	sadd.s32 s14, s13  }
0x53: {  	[hbm4b:s13+s8] =	stream.strided.scatter [tilespmem:s15], [sflag:$0x2], $0x4000, s9, s8, $0x38;
	[tilespmem:$0x10000] =	vst v63  }
.LBB1_8:
0x54: {  	_ =	sfence.sel $0x180000  }
0x55: {  	s2 =	simm.s32 $0x1;
	[bflag:$0x0] =	sbarrier.arrive $0xFFFF  }
0x56: {  	s31 =	simm.s32 $0x2;
	[sflag:s2] =	ssyncpa.u1 $0x1  }
0x57: {  	[sflag:s31] =	ssyncpa.u1 $0x1  }
0x58: {  	p0 =	sne.s32 s0, $0x0;
	_ =	strace $0x90000047  }
0x59: {  	s0 =	sadd.s32 @!p0 $0x100000, s1;
	[bflag:$0x2] =	sbarrier.arrive $0xFFFF  }
0x5a: {  	[sflag:s0] =	ssyncadd.tile.s32 @!p0 $0x1;
	_ =	shalt  }
.Lfunc_end1:
_tile_overlayer_lowered:
.L_overlay_start_2:
0x5b: {  	(tag) =	ssettag $0x2  }
0x5c: {  	s0 =	rddreg [dreg:$0x0];
	s2 =	stileid.u32  }
0x5d: {  	s1 =	rddreg [dreg:$0x1];
	p0 =	sne.s32 s2, $0x0  }
0x5e: {  	s3 =	rddreg [dreg:$0x2];
	[bflag:$0x3] =	sbarrier.arrive $0xFFFF;
	s2 =	simm.s32 @!p0 $0x1C01  }
0x5f: {  	[timem:s3], [sflag:s2] =	dma.local @!p0 [hbm:s0], s1  }
0x60: {  	s0 =	simm.s32 @!p0 $0x1  }
0x61: {  	_ =	swait.ge @!p0 [sflag:s0], s1  }
0x62: {  	s1 =	ssub.s32 @!p0 $0x0, s1;
	[sflag:s0] =	ssyncset.done @!p0 $0x0  }
0x63: {  	[sflag:s0] =	ssyncadd.s32 @!p0 s1  }
0x64: {  	[bflag:$0x3] =	sbarrier.arrive $0xFFFF  }
0x65: {  	_ =	shalt  }

</sc_bundles>
